<compile_context>
chip_gen: v7x
topology: tpu7x:2x2x1
jax: 0.10.2.dev20260603
libtpu: 0.0.44.dev20260713+nightly
codegen_flags: <defaults>
</compile_context>

<pallas_src>
import dataclasses

import jax
import jax.numpy as jnp
from jax import lax
from jax.experimental import pallas as pl
from jax.experimental.pallas import tpu as pltpu
from jax.experimental.pallas import tpu_sc as plsc

C = 1000
B = 16384
BB = 2048
NB = B // BB

NSUB = 16
NCORE = 2
NTILE = NCORE * NSUB
SHIFT = 15
BINS = 1 << SHIFT
BINS_30 = C * C - 30 * BINS


def _argmax_body(pred_ref, tgt_ref, out_ref):
    x = pred_ref[...]
    mx = jnp.max(x, axis=0, keepdims=True)
    row = jax.lax.broadcasted_iota(jnp.int32, x.shape, 0)
    p = jnp.min(jnp.where(x == mx, row, C), axis=0)
    out_ref[0, 0, :] = tgt_ref[0, 0, :] * C + p


def _flat_indices(prediction, target):
    pred_t = prediction.T
    tgt3 = target.reshape(NB, 1, BB)
    out = pl.pallas_call(
        _argmax_body,
        grid=(NB,),
        in_specs=[
            pl.BlockSpec((C, BB), lambda i: (0, i)),
            pl.BlockSpec((1, 1, BB), lambda i: (i, 0, 0)),
        ],
        out_specs=pl.BlockSpec((1, 1, BB), lambda i: (i, 0, 0)),
        out_shape=jax.ShapeDtypeStruct((NB, 1, BB), jnp.int32),
        compiler_params=pltpu.CompilerParams(
            dimension_semantics=("parallel",),
        ),
    )(pred_t, tgt3)
    return out.reshape(B)


def _sc_histogram(flat_idx):
    mesh = plsc.VectorSubcoreMesh(core_axis_name="c", subcore_axis_name="s")
    cp = pltpu.CompilerParams()
    if "needs_layout_passes" in pltpu.CompilerParams.__dataclass_fields__:
        cp = dataclasses.replace(cp, needs_layout_passes=False)

    @pl.kernel(
        compiler_params=cp,
        out_type=jax.ShapeDtypeStruct((C * C,), jnp.float32),
        mesh=mesh,
        scratch_types=[
            pltpu.VMEM((B,), jnp.int32),
            pltpu.VMEM((BINS,), jnp.float32),
        ],
    )
    def hist_kernel(idx_hbm, out_hbm, idx_v, bins_v):
        cid = lax.axis_index("c")
        sid = lax.axis_index("s")
        wid = cid * NSUB + sid

        zeros = jnp.zeros((16,), jnp.float32)

        @pl.loop(0, BINS, step=64)
        def _(i):
            for k in range(4):
                bins_v.at[pl.ds(i + 16 * k, 16)][...] = zeros

        pltpu.sync_copy(idx_hbm, idx_v)

        ones = jnp.full((16,), 1.0, jnp.float32)

        @pl.loop(0, B, step=64)
        def _(i):
            for k in range(4):
                v = idx_v.at[pl.ds(i + 16 * k, 16)][...]
                m = (v >> SHIFT) == wid
                local = v & (BINS - 1)
                plsc.addupdate_scatter(bins_v, [local], ones, mask=m)

        @pl.when(wid < 30)
        def _():
            pltpu.sync_copy(
                bins_v, out_hbm.at[pl.ds(wid * BINS, BINS)]
            )

        @pl.when(wid == 30)
        def _():
            pltpu.sync_copy(
                bins_v.at[pl.ds(0, BINS_30)],
                out_hbm.at[pl.ds(30 * BINS, BINS_30)],
            )

    return hist_kernel(flat_idx)


def kernel(prediction, target):
    flat_idx = _flat_indices(prediction, target)
    cm_flat = _sc_histogram(flat_idx)
    return cm_flat.reshape(C, C)

# --- scband reference (transcript-rebuilt; emitter-appended) ---
"""Pipeline reference for scband-confusion-matrix-metric-28484223107942 (READ-ONLY COPY).

The authoritative reference and input builder live on the scoring server;
editing this copy changes nothing except your own understanding.
"""

import jax, jax.numpy as jnp
import numpy as np

NUM_CLASSES = 1000
BATCH = 16384

def setup_inputs(seed: int = 0) -> dict:
    key = jax.random.key(seed)
    k1, k2 = jax.random.split(key)
    prediction = jax.random.normal(k1, (BATCH, NUM_CLASSES), dtype=jnp.float32)
    target = jax.random.randint(k2, (BATCH,), 0, NUM_CLASSES, dtype=jnp.int32)
    return {"prediction": prediction, "target": target}

def reference(prediction, target):
    # pred = argmax over class dim (robust_logit_index is None -> use all logits)
    pred = jnp.argmax(prediction, axis=1)
    t = target.reshape(-1)
    p = pred.reshape(-1)
    # confusion_matrix[t, p] += 1 for each sample (scatter-add, SparseCore-friendly)
    confusion_matrix = jnp.zeros((NUM_CLASSES, NUM_CLASSES), dtype=jnp.float32)
    confusion_matrix = confusion_matrix.at[t, p].add(1.0)
    return confusion_matrix

if __name__ == "__main__":
    import jax
    _d = setup_inputs()
    print(jax.jit(kernel)(*tuple(_d.values())))

</pallas_src>

<mosaic_0001>
#map = affine_map<(d0, d1) -> (0)>
module attributes {stable_mosaic.version = 14 : i64} {
  func.func @hist_kernel(%arg0: i32, %arg1: i32, %arg2: memref<16384xi32, #tpu.memory_space<hbm>>, %arg3: memref<1000000xf32, #tpu.memory_space<hbm>>, %arg4: memref<16384xi32, #tpu.memory_space<vmem>>, %arg5: memref<32768xf32, #tpu.memory_space<vmem>>) attributes {dimension_semantics = [#tpu.dimension_semantics<core_parallel>, #tpu.dimension_semantics<subcore_parallel>], iteration_bounds = array<i64: 2, 16>, scalar_prefetch = 0 : i64, scratch_operands = 2 : i64, tpu.core_type = #tpu.core_type<sc_vector_subcore>, window_params = [{transform_indices = #map}, {transform_indices = #map}]} {
    %mul3A = arith.constant 16 : i32
    %mul3A_0 = arith.muli %arg0, %mul3A : i32
    %add3A = arith.addi %mul3A_0, %arg1 : i32
    %broadcast_in_dim3A = arith.constant 0.000000e+00 : f32
    %broadcast_in_dim3A_1 = vector.broadcast %broadcast_in_dim3A : f32 to vector<16xf32>
    %scan3A = arith.constant 0 : i32
    %scan3A_2 = arith.constant 512 : i32
    %scan3A_3 = arith.addi %scan3A, %scan3A_2 : i32
    %scan3A_4 = arith.constant 1 : i32
    scf.for %scan3A_19 = %scan3A to %scan3A_3 step %scan3A_4  : i32 {
      %mul3A_20 = arith.constant 64 : i32
      %mul3A_21 = arith.muli %scan3A_19, %mul3A_20 : i32
      %add3A_22 = arith.constant 0 : i32
      %add3A_23 = arith.addi %add3A_22, %mul3A_21 : i32
      %add3A_24 = arith.constant 0 : i32
      %add3A_25 = arith.addi %add3A_23, %add3A_24 : i32
      %swap3A = arith.index_cast %add3A_25 : i32 to index
      %swap3A_26 = tpu.vector_load %arg5[%swap3A] {strides = array<i32>} : memref<32768xf32, #tpu.memory_space<vmem>>, vector<16xf32>,
      tpu.vector_store %arg5[%swap3A], %broadcast_in_dim3A_1 {strides = array<i32>} : memref<32768xf32, #tpu.memory_space<vmem>>, vector<16xf32>,
      %add3A_27 = arith.constant 16 : i32
      %add3A_28 = arith.addi %add3A_23, %add3A_27 : i32
      %swap3A_29 = arith.index_cast %add3A_28 : i32 to index
      %swap3A_30 = tpu.vector_load %arg5[%swap3A_29] {strides = array<i32>} : memref<32768xf32, #tpu.memory_space<vmem>>, vector<16xf32>,
      tpu.vector_store %arg5[%swap3A_29], %broadcast_in_dim3A_1 {strides = array<i32>} : memref<32768xf32, #tpu.memory_space<vmem>>, vector<16xf32>,
      %add3A_31 = arith.constant 32 : i32
      %add3A_32 = arith.addi %add3A_23, %add3A_31 : i32
      %swap3A_33 = arith.index_cast %add3A_32 : i32 to index
      %swap3A_34 = tpu.vector_load %arg5[%swap3A_33] {strides = array<i32>} : memref<32768xf32, #tpu.memory_space<vmem>>, vector<16xf32>,
      tpu.vector_store %arg5[%swap3A_33], %broadcast_in_dim3A_1 {strides = array<i32>} : memref<32768xf32, #tpu.memory_space<vmem>>, vector<16xf32>,
      %add3A_35 = arith.constant 48 : i32
      %add3A_36 = arith.addi %add3A_23, %add3A_35 : i32
      %swap3A_37 = arith.index_cast %add3A_36 : i32 to index
      %swap3A_38 = tpu.vector_load %arg5[%swap3A_37] {strides = array<i32>} : memref<32768xf32, #tpu.memory_space<vmem>>, vector<16xf32>,
      tpu.vector_store %arg5[%swap3A_37], %broadcast_in_dim3A_1 {strides = array<i32>} : memref<32768xf32, #tpu.memory_space<vmem>>, vector<16xf32>,
    }
    %scan3A_5 = arith.constant 512 : i32
    "tpu.region"() ({
      %run_scoped3A = tpu.sem_alloc : memref<!tpu.dma_semaphore, #tpu.memory_space<semaphore_mem>>
      tpu.enqueue_dma source(%arg2 : memref<16384xi32, #tpu.memory_space<hbm>>) target(%arg4 : memref<16384xi32, #tpu.memory_space<vmem>>) target_semaphore(%run_scoped3A : memref<!tpu.dma_semaphore, #tpu.memory_space<semaphore_mem>>)
      tpu.wait_dma2 semaphore(%run_scoped3A : memref<!tpu.dma_semaphore, #tpu.memory_space<semaphore_mem>>) src(%arg2 : memref<16384xi32, #tpu.memory_space<hbm>>) dst(%arg4 : memref<16384xi32, #tpu.memory_space<vmem>>)
      tpu.yield
    }) : () -> ()
    %broadcast_in_dim3A_6 = arith.constant 1.000000e+00 : f32
    %broadcast_in_dim3A_7 = vector.broadcast %broadcast_in_dim3A_6 : f32 to vector<16xf32>
    %scan3A_8 = arith.constant 0 : i32
    %scan3A_9 = arith.constant 256 : i32
    %scan3A_10 = arith.addi %scan3A_8, %scan3A_9 : i32
    %scan3A_11 = arith.constant 1 : i32
    scf.for %scan3A_19 = %scan3A_8 to %scan3A_10 step %scan3A_11  : i32 {
      %mul3A_20 = arith.constant 64 : i32
      %mul3A_21 = arith.muli %scan3A_19, %mul3A_20 : i32
      %add3A_22 = arith.constant 0 : i32
      %add3A_23 = arith.addi %add3A_22, %mul3A_21 : i32
      %add3A_24 = arith.constant 0 : i32
      %add3A_25 = arith.addi %add3A_23, %add3A_24 : i32
      %get3A = arith.index_cast %add3A_25 : i32 to index
      %get3A_26 = tpu.vector_load %arg4[%get3A] {strides = array<i32>} : memref<16384xi32, #tpu.memory_space<vmem>>, vector<16xi32>,
      %shift_right_arithmetic3A = arith.constant 15 : i32
      %shift_right_arithmetic3A_27 = vector.broadcast %shift_right_arithmetic3A : i32 to vector<16xi32>
      %shift_right_arithmetic3A_28 = arith.shrsi %get3A_26, %shift_right_arithmetic3A_27 : vector<16xi32>
      %eq3A_29 = vector.broadcast %add3A : i32 to vector<16xi32>
      %eq3A_30 = arith.cmpi eq, %shift_right_arithmetic3A_28, %eq3A_29 : vector<16xi32>
      %and3A = arith.constant 32767 : i32
      %and3A_31 = vector.broadcast %and3A : i32 to vector<16xi32>
      %and3A_32 = arith.andi %get3A_26, %and3A_31 : vector<16xi32>
      tpu.vector_store_idx %arg5[%and3A_32], %broadcast_in_dim3A_7 masked %eq3A_30 {add = true} : memref<32768xf32, #tpu.memory_space<vmem>>[vector<16xi32>], vector<16xf32>, vector<16xi1>
      %add3A_33 = arith.constant 16 : i32
      %add3A_34 = arith.addi %add3A_23, %add3A_33 : i32
      %get3A_35 = arith.index_cast %add3A_34 : i32 to index
      %get3A_36 = tpu.vector_load %arg4[%get3A_35] {strides = array<i32>} : memref<16384xi32, #tpu.memory_space<vmem>>, vector<16xi32>,
      %shift_right_arithmetic3A_37 = arith.constant 15 : i32
      %shift_right_arithmetic3A_38 = vector.broadcast %shift_right_arithmetic3A_37 : i32 to vector<16xi32>
      %shift_right_arithmetic3A_39 = arith.shrsi %get3A_36, %shift_right_arithmetic3A_38 : vector<16xi32>
      %eq3A_40 = vector.broadcast %add3A : i32 to vector<16xi32>
      %eq3A_41 = arith.cmpi eq, %shift_right_arithmetic3A_39, %eq3A_40 : vector<16xi32>
      %and3A_42 = arith.constant 32767 : i32
      %and3A_43 = vector.broadcast %and3A_42 : i32 to vector<16xi32>
      %and3A_44 = arith.andi %get3A_36, %and3A_43 : vector<16xi32>
      tpu.vector_store_idx %arg5[%and3A_44], %broadcast_in_dim3A_7 masked %eq3A_41 {add = true} : memref<32768xf32, #tpu.memory_space<vmem>>[vector<16xi32>], vector<16xf32>, vector<16xi1>
      %add3A_45 = arith.constant 32 : i32
      %add3A_46 = arith.addi %add3A_23, %add3A_45 : i32
      %get3A_47 = arith.index_cast %add3A_46 : i32 to index
      %get3A_48 = tpu.vector_load %arg4[%get3A_47] {strides = array<i32>} : memref<16384xi32, #tpu.memory_space<vmem>>, vector<16xi32>,
      %shift_right_arithmetic3A_49 = arith.constant 15 : i32
      %shift_right_arithmetic3A_50 = vector.broadcast %shift_right_arithmetic3A_49 : i32 to vector<16xi32>
      %shift_right_arithmetic3A_51 = arith.shrsi %get3A_48, %shift_right_arithmetic3A_50 : vector<16xi32>
      %eq3A_52 = vector.broadcast %add3A : i32 to vector<16xi32>
      %eq3A_53 = arith.cmpi eq, %shift_right_arithmetic3A_51, %eq3A_52 : vector<16xi32>
      %and3A_54 = arith.constant 32767 : i32
      %and3A_55 = vector.broadcast %and3A_54 : i32 to vector<16xi32>
      %and3A_56 = arith.andi %get3A_48, %and3A_55 : vector<16xi32>
      tpu.vector_store_idx %arg5[%and3A_56], %broadcast_in_dim3A_7 masked %eq3A_53 {add = true} : memref<32768xf32, #tpu.memory_space<vmem>>[vector<16xi32>], vector<16xf32>, vector<16xi1>
      %add3A_57 = arith.constant 48 : i32
      %add3A_58 = arith.addi %add3A_23, %add3A_57 : i32
      %get3A_59 = arith.index_cast %add3A_58 : i32 to index
      %get3A_60 = tpu.vector_load %arg4[%get3A_59] {strides = array<i32>} : memref<16384xi32, #tpu.memory_space<vmem>>, vector<16xi32>,
      %shift_right_arithmetic3A_61 = arith.constant 15 : i32
      %shift_right_arithmetic3A_62 = vector.broadcast %shift_right_arithmetic3A_61 : i32 to vector<16xi32>
      %shift_right_arithmetic3A_63 = arith.shrsi %get3A_60, %shift_right_arithmetic3A_62 : vector<16xi32>
      %eq3A_64 = vector.broadcast %add3A : i32 to vector<16xi32>
      %eq3A_65 = arith.cmpi eq, %shift_right_arithmetic3A_63, %eq3A_64 : vector<16xi32>
      %and3A_66 = arith.constant 32767 : i32
      %and3A_67 = vector.broadcast %and3A_66 : i32 to vector<16xi32>
      %and3A_68 = arith.andi %get3A_60, %and3A_67 : vector<16xi32>
      tpu.vector_store_idx %arg5[%and3A_68], %broadcast_in_dim3A_7 masked %eq3A_65 {add = true} : memref<32768xf32, #tpu.memory_space<vmem>>[vector<16xi32>], vector<16xf32>, vector<16xi1>
    }
    %scan3A_12 = arith.constant 256 : i32
    %lt3A = arith.constant 30 : i32
    %lt3A_13 = arith.cmpi slt, %add3A, %lt3A : i32
    %convert_element_type3A = arith.extui %lt3A_13 : i1 to i32
    %cond3A = arith.constant 0 : i32
    %cond3A_14 = arith.cmpi ne, %convert_element_type3A, %cond3A : i32
    scf.if %cond3A_14 {
      %mul3A_19 = arith.constant 32768 : i32
      %mul3A_20 = arith.muli %add3A, %mul3A_19 : i32
      "tpu.region"() ({
        %run_scoped3A = tpu.sem_alloc : memref<!tpu.dma_semaphore, #tpu.memory_space<semaphore_mem>>
        %dma_start3A = tpu.memref_slice %arg3[%mul3A_20] : memref<1000000xf32, #tpu.memory_space<hbm>> -> memref<32768xf32, #tpu.memory_space<hbm>>
        %dma_start3A_21 = tpu.memref_slice %arg3[%mul3A_20] : memref<1000000xf32, #tpu.memory_space<hbm>> -> memref<32768xf32, #tpu.memory_space<hbm>>
        tpu.enqueue_dma source(%arg5 : memref<32768xf32, #tpu.memory_space<vmem>>) target(%dma_start3A_21 : memref<32768xf32, #tpu.memory_space<hbm>>) target_semaphore(%run_scoped3A : memref<!tpu.dma_semaphore, #tpu.memory_space<semaphore_mem>>)
        %dma_wait3A = tpu.memref_slice %arg3[%mul3A_20] : memref<1000000xf32, #tpu.memory_space<hbm>> -> memref<32768xf32, #tpu.memory_space<hbm>>
        %dma_wait3A_22 = tpu.memref_slice %arg3[%mul3A_20] : memref<1000000xf32, #tpu.memory_space<hbm>> -> memref<32768xf32, #tpu.memory_space<hbm>>
        tpu.wait_dma2 semaphore(%run_scoped3A : memref<!tpu.dma_semaphore, #tpu.memory_space<semaphore_mem>>) src(%arg5 : memref<32768xf32, #tpu.memory_space<vmem>>) dst(%dma_wait3A_22 : memref<32768xf32, #tpu.memory_space<hbm>>)
        tpu.yield
      }) : () -> ()
    } else {
    }
    %eq3A = arith.constant 30 : i32
    %eq3A_15 = arith.cmpi eq, %add3A, %eq3A : i32
    %convert_element_type3A_16 = arith.extui %eq3A_15 : i1 to i32
    %cond3A_17 = arith.constant 0 : i32
    %cond3A_18 = arith.cmpi ne, %convert_element_type3A_16, %cond3A_17 : i32
    scf.if %cond3A_18 {
      "tpu.region"() ({
        %run_scoped3A = tpu.sem_alloc : memref<!tpu.dma_semaphore, #tpu.memory_space<semaphore_mem>>
        %dma_start3A = arith.constant 0 : i32
        %dma_start3A_19 = tpu.memref_slice %arg5[%dma_start3A] : memref<32768xf32, #tpu.memory_space<vmem>> -> memref<16960xf32, #tpu.memory_space<vmem>>
        %dma_start3A_20 = arith.constant 983040 : i32
        %dma_start3A_21 = tpu.memref_slice %arg3[%dma_start3A_20] : memref<1000000xf32, #tpu.memory_space<hbm>> -> memref<16960xf32, #tpu.memory_space<hbm>>
        %dma_start3A_22 = arith.constant 983040 : i32
        %dma_start3A_23 = tpu.memref_slice %arg3[%dma_start3A_22] : memref<1000000xf32, #tpu.memory_space<hbm>> -> memref<16960xf32, #tpu.memory_space<hbm>>
        %dma_start3A_24 = arith.constant 0 : i32
        %dma_start3A_25 = tpu.memref_slice %arg5[%dma_start3A_24] : memref<32768xf32, #tpu.memory_space<vmem>> -> memref<16960xf32, #tpu.memory_space<vmem>>
        tpu.enqueue_dma source(%dma_start3A_25 : memref<16960xf32, #tpu.memory_space<vmem>>) target(%dma_start3A_23 : memref<16960xf32, #tpu.memory_space<hbm>>) target_semaphore(%run_scoped3A : memref<!tpu.dma_semaphore, #tpu.memory_space<semaphore_mem>>)
        %dma_wait3A = arith.constant 0 : i32
        %dma_wait3A_26 = tpu.memref_slice %arg5[%dma_wait3A] : memref<32768xf32, #tpu.memory_space<vmem>> -> memref<16960xf32, #tpu.memory_space<vmem>>
        %dma_wait3A_27 = arith.constant 983040 : i32
        %dma_wait3A_28 = tpu.memref_slice %arg3[%dma_wait3A_27] : memref<1000000xf32, #tpu.memory_space<hbm>> -> memref<16960xf32, #tpu.memory_space<hbm>>
        %dma_wait3A_29 = arith.constant 983040 : i32
        %dma_wait3A_30 = tpu.memref_slice %arg3[%dma_wait3A_29] : memref<1000000xf32, #tpu.memory_space<hbm>> -> memref<16960xf32, #tpu.memory_space<hbm>>
        %dma_wait3A_31 = arith.constant 0 : i32
        %dma_wait3A_32 = tpu.memref_slice %arg5[%dma_wait3A_31] : memref<32768xf32, #tpu.memory_space<vmem>> -> memref<16960xf32, #tpu.memory_space<vmem>>
        tpu.wait_dma2 semaphore(%run_scoped3A : memref<!tpu.dma_semaphore, #tpu.memory_space<semaphore_mem>>) src(%dma_wait3A_32 : memref<16960xf32, #tpu.memory_space<vmem>>) dst(%dma_wait3A_30 : memref<16960xf32, #tpu.memory_space<hbm>>)
        tpu.yield
      }) : () -> ()
    } else {
    }
    return
  }
}

module attributes {stable_mosaic.version = 14 : i64} {
  func.func @_argmax_body(%arg0: i32, %arg1: memref<1000x2048xf32, #tpu.memory_space<vmem>>, %arg2: memref<1x1x2048xi32, #tpu.memory_space<vmem>>, %arg3: memref<1x1x2048xi32, #tpu.memory_space<vmem>>) attributes {dimension_semantics = [#tpu.dimension_semantics<parallel>], iteration_bounds = array<i64: 8>, scalar_prefetch = 0 : i64, scratch_operands = 0 : i64, tpu.core_type = #tpu.core_type<tc>, window_params = [{transform_indices = @transform_0, window_bounds = array<i64: 1000, 2048>}, {transform_indices = @transform_1, window_bounds = array<i64: 1, 1, 2048>}, {transform_indices = @transform_2, window_bounds = array<i64: 1, 1, 2048>}]} {
    %get3A = arith.constant 0 : index
    %get3A_0 = arith.constant 0 : index
    %get3A_1 = vector.load %arg1[%get3A, %get3A_0] : memref<1000x2048xf32, #tpu.memory_space<vmem>>, vector<1000x2048xf32>
    %reduce_max3A = arith.constant dense<0xFF800000> : vector<2048xf32>
    %reduce_max3A_2 = vector.multi_reduction <maximumf>, %get3A_1, %reduce_max3A [0] : vector<1000x2048xf32> to vector<2048xf32>
    %broadcast_in_dim3A = vector.shape_cast %reduce_max3A_2 : vector<2048xf32> to vector<1x2048xf32>
    %iota3A = tpu.iota {dimensions = array<i32: 0>} : vector<1000x2048xi32>
    %eq3A = vector.broadcast %broadcast_in_dim3A : vector<1x2048xf32> to vector<1000x2048xf32>
    %eq3A_3 = arith.cmpf oeq, %get3A_1, %eq3A : vector<1000x2048xf32>
    %jit3A = arith.constant 1000 : i32
    %broadcast_in_dim3A_4 = vector.broadcast %jit3A : i32 to vector<1000x2048xi32>
    %select_n3A = arith.select %eq3A_3, %iota3A, %broadcast_in_dim3A_4 : vector<1000x2048xi1>, vector<1000x2048xi32>
    %reduce_min3A = arith.constant dense<2147483647> : vector<2048xi32>
    %reduce_min3A_5 = vector.multi_reduction <minsi>, %select_n3A, %reduce_min3A [0] : vector<1000x2048xi32> to vector<2048xi32>
    %get3A_6 = arith.constant 0 : index
    %get3A_7 = arith.constant 0 : index
    %get3A_8 = arith.constant 0 : index
    %get3A_9 = vector.load %arg2[%get3A_6, %get3A_7, %get3A_8] : memref<1x1x2048xi32, #tpu.memory_space<vmem>>, vector<1x1x2048xi32>
    %get3A_10 = vector.shape_cast %get3A_9 : vector<1x1x2048xi32> to vector<2048xi32>
    %mul3A = arith.constant 1000 : i32
    %mul3A_11 = vector.broadcast %mul3A : i32 to vector<2048xi32>
    %mul3A_12 = arith.muli %get3A_10, %mul3A_11 : vector<2048xi32>
    %add3A = arith.addi %mul3A_12, %reduce_min3A_5 : vector<2048xi32>
    %swap3A = arith.constant 0 : index
    %swap3A_13 = arith.constant 0 : index
    %swap3A_14 = arith.constant 0 : index
    %swap3A_15 = vector.load %arg3[%swap3A, %swap3A_13, %swap3A_14] : memref<1x1x2048xi32, #tpu.memory_space<vmem>>, vector<1x1x2048xi32>
    %swap3A_16 = vector.shape_cast %swap3A_15 : vector<1x1x2048xi32> to vector<2048xi32>
    %swap3A_17 = vector.shape_cast %add3A : vector<2048xi32> to vector<1x1x2048xi32>
    tpu.vector_store %arg3[%swap3A, %swap3A_13, %swap3A_14], %swap3A_17 {strides = array<i32>} : memref<1x1x2048xi32, #tpu.memory_space<vmem>>, vector<1x1x2048xi32>,
    return
  }
  func.func @transform_0(%arg0: i32) -> (i32, i32) {
    %c0_i32 = arith.constant 0 : i32
    %c0_i32_0 = arith.constant 0 : i32
    return %c0_i32, %arg0 : i32, i32
  }
  func.func @transform_1(%arg0: i32) -> (i32, i32, i32) {
    %c0_i32 = arith.constant 0 : i32
    %c0_i32_0 = arith.constant 0 : i32
    %c0_i32_1 = arith.constant 0 : i32
    return %arg0, %c0_i32, %c0_i32_0 : i32, i32, i32
  }
  func.func @transform_2(%arg0: i32) -> (i32, i32, i32) {
    %c0_i32 = arith.constant 0 : i32
    %c0_i32_0 = arith.constant 0 : i32
    %c0_i32_1 = arith.constant 0 : i32
    return %arg0, %c0_i32, %c0_i32_0 : i32, i32, i32
  }
}

</mosaic_0001>

<sc_bundles>
// kernel: kernel.4.cloned.1.call-start
scs
__scs_entry_jumppad:
0x0: {  	(pc) =	sbr.rel $0x88, $3  }
0x1: {  	(tag) =	ssettag $0x0;
	lr =	simm.s32 $0x1  }
0x2: {  	[smem:$0x3F9F] =	sst lr;
	_ =	strace $0xD0000000  }
0x3: {  	_ = 	snop  }
0x4: {  	_ = 	snop  }
0x5: {  	_ = 	snop  }
0x6: {  	_ = 	snop  }
0x7: {  	_ = 	snop  }
__scs_overlays_trampoline_lowered:
0x8: {  	[smem:$0x3FAE] =	sst s0  }
0x9: {  	[smem:$0x3FAF] =	sst s1  }
0xa: {  	[smem:$0x3FB0] =	sst s2  }
0xb: {  	[smem:$0x3FB1] =	sst s3  }
0xc: {  	[smem:$0x3FB2] =	sst s4  }
0xd: {  	[smem:$0x3FB3] =	sst s5  }
0xe: {  	[smem:$0x3FB4] =	sst s6  }
0xf: {  	[smem:$0x3FB5] =	sst s7  }
0x10: {  	[smem:$0x3FB6] =	sst s8  }
0x11: {  	[smem:$0x3FB7] =	sst s9;
	s0 =	simm.s32 @!p0 $0x0  }
0x12: {  	s1 =	sld [smem:$0x3F9D];
	s0 =	simm.s32 @p0 $0x1  }
0x13: {  	[smem:$0x3FB8] =	sst s0;
	s0 =	simm.s32 @!p1 $0x0  }
0x14: {  	s2 =	sld [smem:$0x3F9C];
	s0 =	simm.s32 @p1 $0x1  }
0x15: {  	[smem:$0x3FB9] =	sst s0;
	s0 =	simm.s32 @!p2 $0x0  }
0x16: {  	s3 =	sld [smem:$0x3FDB];
	s0 =	simm.s32 @p2 $0x1  }
0x17: {  	s4 =	simm.s32 $0x1BF5;
	[smem:$0x3FBB] =	sst s0  }
0x18: {  	s0 =	sld [smem:$0x3F9E];
	_ =	swait.ge [sflag:s4], $0x0  }
0x19: {  	s7 =	sld [smem:$0x3F9F]  }
0x1a: {  	s8 =	sadd.s32 $0xFFFFE003, lr  }
0x1b: {  	s9 =	sadd.s32 $0xFFFFFEF7, lr;
	s5 =	simm.s32 $0xFFFFFFFF;
	p2 =	slt.u32 s8, $0xFFFFF086  }
0x1c: {  	p1 =	slt.u32 s9, $0xF7A;
	s5 =	simm.s32 @!p2 $0x0  }
0x1d: {  	s5 =	simm.s32 @p1 $0x1;
	p0 =	seq.s32 s7, s2  }
0x1e: {  	s7 =	smul.u32 @!p0 $0xF7A, s2;
	p2 =	seq.s32 @!p0 s5, $0x0  }
0x1f: {  	s9 =	smul.u32 $0xF7A, s1;
	s8 =	simm.s32 @!p0 $0x1BF5;
	p2 =	por !p2, p0  }
0x20: {  	[sflag:s8] =	ssyncset.s32 @!p0 $0xFFFFF086;
	s6 =	sadd.s32 @!p0 s3, s7;
	s7 =	simm.s32 @!p0 $0x108  }
0x21: {  	s3 =	sadd.s32 s3, s9;
	s6 =	sadd.s32 @!p0 $0x88, s6;
	s7 =	simm.s32 @p2 $0x1082  }
0x22: {  	[simem:s7], [sflag:s8] =	dma.local @!p0 [hbm:s6], $0xF7A  }
0x23: {  	s9 =	sor.u32 $0xD0000000, s2;
	s6 =	simm.s32 $0x108;
	_ =	swait.ge @!p0 [sflag:s8], $0x0  }
0x24: {  	s3 =	sadd.s32 $0x88, s3;
	s6 =	simm.s32 @!p1 $0x1082;
	[sflag:s4] =	ssyncset.s32 $0xFFFFF086  }
0x25: {  	[simem:s6], [sflag:s4] =	dma.local [hbm:s3], $0xF7A  }
0x26: {  	[smem:$0x3F9F] =	sst s1;
	(tag) =	ssettag s2;
	_ =	strace s9  }
0x27: {  	s1 =	sld [smem:$0x3FAF]  }
0x28: {  	s2 =	sld [smem:$0x3FB0]  }
0x29: {  	s4 =	sld [smem:$0x3FB2]  }
0x2a: {  	p0 =	seq.s32 s5, $0x0;
	s5 =	sld [smem:$0x3FB3]  }
0x2b: {  	s6 =	sld [smem:$0x3FB4]  }
0x2c: {  	s7 =	sld [smem:$0x3FB5]  }
0x2d: {  	s3 =	simm.s32 $0x108;
	s8 =	sld [smem:$0x3FB6]  }
0x2e: {  	s3 =	simm.s32 @!p0 $0x1082;
	s9 =	sld [smem:$0x3FB7]  }
0x2f: {  	lr =	sadd.s32 s0, s3;
	s0 =	sld [smem:$0x3FAE]  }
0x30: {  	s3 =	sld [smem:$0x3FB1]  }
0x31: {  	[smem:$0x3FBA] =	sst s10  }
0x32: {  	s10 =	sld [smem:$0x3FB8];
	_ =	sdelay $0x3  }
0x33: {  	p0 =	seq.s32 s10, $0x1;
	s10 =	sld [smem:$0x3FBA];
	_ =	sdelay $0x3  }
0x34: {  	[smem:$0x3FBA] =	sst s10  }
0x35: {  	s10 =	sld [smem:$0x3FB9];
	_ =	sdelay $0x3  }
0x36: {  	p1 =	seq.s32 s10, $0x1;
	s10 =	sld [smem:$0x3FBA];
	_ =	sdelay $0x3  }
0x37: {  	[smem:$0x3FBA] =	sst s10  }
0x38: {  	s10 =	sld [smem:$0x3FBB]  }
0x39: {  	_ = 	snop;
	(pc) =	sbr.ind lr, $3  }
0x3a: {  	_ = 	snop  }
0x3b: {  	_ = 	snop  }
0x3c: {  	p2 =	seq.s32 s10, $0x1;
	s10 =	sld [smem:$0x3FBA]  }
0x3d: {  	_ =	shalt  }
0x3e: {  	_ =	shalt  }
0x3f: {  	_ =	shalt  }
0x40: {  	_ =	shalt  }
0x41: {  	_ =	shalt  }
0x42: {  	_ =	shalt  }
0x43: {  	_ =	shalt  }
0x44: {  	_ =	shalt  }
0x45: {  	_ =	shalt  }
0x46: {  	_ =	shalt  }
0x47: {  	_ =	shalt  }
0x48: {  	_ =	shalt  }
0x49: {  	_ =	shalt  }
0x4a: {  	_ =	shalt  }
0x4b: {  	_ =	shalt  }
0x4c: {  	_ =	shalt  }
0x4d: {  	_ =	shalt  }
0x4e: {  	_ =	shalt  }
0x4f: {  	_ =	shalt  }
0x50: {  	_ =	shalt  }
0x51: {  	_ =	shalt  }
0x52: {  	_ =	shalt  }
0x53: {  	_ =	shalt  }
0x54: {  	_ =	shalt  }
0x55: {  	_ =	shalt  }
0x56: {  	_ =	shalt  }
0x57: {  	_ =	shalt  }
0x58: {  	_ =	shalt  }
0x59: {  	_ =	shalt  }
0x5a: {  	_ =	shalt  }
0x5b: {  	_ =	shalt  }
0x5c: {  	_ =	shalt  }
0x5d: {  	_ =	shalt  }
0x5e: {  	_ =	shalt  }
0x5f: {  	_ =	shalt  }
0x60: {  	_ =	shalt  }
0x61: {  	_ =	shalt  }
0x62: {  	_ =	shalt  }
0x63: {  	_ =	shalt  }
0x64: {  	_ =	shalt  }
0x65: {  	_ =	shalt  }
0x66: {  	_ =	shalt  }
0x67: {  	_ =	shalt  }
0x68: {  	_ =	shalt  }
0x69: {  	_ =	shalt  }
0x6a: {  	_ =	shalt  }
0x6b: {  	_ =	shalt  }
0x6c: {  	_ =	shalt  }
0x6d: {  	_ =	shalt  }
0x6e: {  	_ =	shalt  }
0x6f: {  	_ =	shalt  }
0x70: {  	_ =	shalt  }
0x71: {  	_ =	shalt  }
0x72: {  	_ =	shalt  }
0x73: {  	_ =	shalt  }
0x74: {  	_ =	shalt  }
0x75: {  	_ =	shalt  }
0x76: {  	_ =	shalt  }
0x77: {  	_ =	shalt  }
0x78: {  	_ =	shalt  }
0x79: {  	_ =	shalt  }
0x7a: {  	_ =	shalt  }
0x7b: {  	_ =	shalt  }
0x7c: {  	_ =	shalt  }
0x7d: {  	_ =	shalt  }
0x7e: {  	_ =	shalt  }
0x7f: {  	_ =	shalt  }
0x80: {  	_ =	shalt  }
0x81: {  	_ =	shalt  }
0x82: {  	_ =	shalt  }
0x83: {  	_ =	shalt  }
0x84: {  	_ =	shalt  }
0x85: {  	_ =	shalt  }
0x86: {  	_ =	shalt  }
0x87: {  	_ =	shalt  }
.Lfunc_end0:
.L_simem_size_0:
called_computation_lowered:
.L_overlay_start_0:
0x88: {  	s2 =	sld [smem:$0x3FD9]  }
0x89: {  	s3 =	sld [smem:$0x3FFE];
	_ =	sdelay $0x1  }
0x8a: {  	s1 =	srdreg.scid  }
0x8b: {  	s0 =	sand.u32 $0x1, s1  }
0x8c: {  	s17 =	sshll.u32 s0, $0xA;
	s2 =	sadd.s32 s3, s2  }
0x8d: {  	s2 =	sadd.s32 s2, s17  }
0x8e: {  	[smem:$0x3FC6] =	sst s2  }
0x8f: {  	_ = 	snop  }
0x90: {  	s2 =	sld [smem:$0x3FD0];
	(tm) =	ssettm $0x1  }
0x91: {  	s18 =	sld [smem:$0x3FFB];
	_ =	sdelay $0x3  }
0x92: {  	_ =	strace s18  }
0x93: {  	s3 =	sld [smem:$0x3FFC];
	_ =	sdelay $0x3  }
0x94: {  	_ =	strace s3  }
0x95: {  	s3 =	sld [smem:$0x3FFD];
	_ =	sdelay $0x3  }
0x96: {  	_ =	strace s3  }
0x97: {  	_ =	strace $0x8FFFFFFF  }
0x98: {  	s19 =	sld [smem:$0x3FDB];
	_ =	sdelay $0x1  }
0x99: {  	s4 =	simm.s32 $_scs_section_size  }
0x9a: {  	s5 =	simm.s32 $_size__tile_overlayer_lowered;
	s6 =	simm.s32 $_tile_overlayer_lowered  }
0x9b: {  	s22 =	simm.s32 $0x1BFF;
	s21 =	sshll.u32 s6, $0x1;
	s3 =	sadd.s32 s4, s19  }
0x9c: {  	s7 =	simm.s32 $0x0;
	s20 =	sshll.u32 s5, $0x1;
	s5 =	sadd.s32 s21, s3  }
0x9d: {  	[timem:s7], [sflag:s22] =	dma.local [hbm:s5], s20  }
0x9e: {  	_ =	swait.ge [sflag:s22], s20  }
0x9f: {  	s4 =	ssub.s32 $0x0, s20;
	[sflag:s22] =	ssyncset.done $0x0  }
0xa0: {  	[sflag:s22] =	ssyncadd.s32 s4;
	_ =	sdelay $0x1  }
0xa1: {  	s23 =	simm.s32 $0x1B8B  }
0xa2: {  	_ =	swait.ge [sflag:s23], $0x1  }
0xa3: {  	[sflag:s23] =	ssyncset.done $0x0  }
0xa4: {  	s25 =	simm.s32 $0x1B8E;
	s24 =	sld [smem:$0x3FFE];
	[sflag:s23] =	ssyncadd.s32 $0xFFFFFFFF  }
0xa5: {  	s26 =	simm.s32 $execute0_lowered;
	[smem:$0x3FD2] =	sst s25  }
0xa6: {  	s5 =	sshll.u32 s26, $0x1;
	_ =	strace $0x80000046;
	[dreg:$0x1] =	wrdreg $0xFFFFFFFF  }
0xa7: {  	s28 =	simm.s32 $_size_execute0_lowered;
	s3 =	sadd.s32 s3, s5;
	[dreg:$0x0] =	wrdreg $0x0  }
0xa8: {  	s5 =	sshll.u32 s28, $0x1;
	[dreg:$0x2] =	wrdreg s3  }
0xa9: {  	[dreg:$0x3] =	wrdreg s5  }
0xaa: {  	[dreg:$0x4] =	wrdreg $0xC0  }
0xab: {  	_ =	task [dreg:s7], $0x5FFFF  }
0xac: {  	[dreg:$0x1] =	wrdreg $0xFFFFFFFF  }
0xad: {  	[dreg:$0x0] =	wrdreg $0x60  }
0xae: {  	[dreg:$0x2] =	wrdreg s2  }
0xaf: {  	[dreg:$0x3] =	wrdreg s24  }
0xb0: {  	[dreg:$0x4] =	wrdreg $0x9  }
0xb1: {  	_ =	task.clear_ibuf [dreg:s7], $0x5FFFF;
	_ =	strace $0x90000046  }
0xb2: {  	s29 =	simm.s32 $0x9;
	_ =	strace $0x80000048  }
0xb3: {  	_ =	swait.ge [sflag:s29], $0x1  }
0xb4: {  	[sflag:s29] =	ssyncadd.s32 $0xFFFFFFFF  }
0xb5: {  	_ =	strace $0x90000048  }
0xb6: {  	_ =	sfence  }
0xb7: {  	s30 =	sld [smem:$0x0];
	_ =	sdelay $0x2  }
0xb8: {  	s31 =	sshll.u32 s1, $0xD;
	s1 =	sshrl.u32 s1, $0x2  }
0xb9: {  	s3 =	sand.u32 $0x4000, s31;
	s1 =	sadd.s32 s1, s30  }
0xba: {  	s0 =	sor.u32 s3, s0;
	s1 =	sshll.u32 s1, $0x11  }
0xbb: {  	s0 =	sor.u32 s1, s0  }
0xbc: {  	s0 =	sadd.s32 $0x8F2B, s0  }
0xbd: {  	[sflag:s0] =	ssyncadd.remote.s32 $0x1  }
0xbe: {  	_ =	sfence.sel $0xFFFF  }
0xbf: {  	[dreg:$0x0] =	wrdreg $0xFFFFFFFF;
	(pc) =	sbr.abs _section_cstart, $3  }
0xc0: {  	[dreg:$0x1] =	wrdreg $0xFFFFFFFF  }
0xc1: {  	_ =	task.clear_ibuf [dreg:s7], $0x2FFFF;
	_ =	strace $0x9FFFFFFF  }
0xc2: {  	(tm) =	ssettm $0x7FFFFFFF  }
0xc3: {  	_ =	shalt  }
tec
execute0_lowered:
.L_overlay_start_1:
0x0: {  	(tag) =	ssettag $0x1  }
0x1: {  	s2 =	rddreg [dreg:$0x0]  }
0x2: {  	s0 =	srdreg.scid;
	s5 =	rddreg [dreg:$0x1]  }
0x3: {  	s1 =	stileid.u32;
	s3 =	simm.s32 $0x0;
	s4 =	sand.u32 $0x1, s0  }
0x4: {  	s0 =	rddreg [dreg:$0x2];
	s6 =	sshll.u32 s4, $0x4;
	s4 =	ssub.s32 $0x2, s4  }
0x5: {  	[smem:$0x7FF] =	sst s3;
	s7 =	sor.u32 s1, s6;
	s8 =	sshrl.u32 s4, $0x1  }
0x6: {  	_ =	strace $0x80000047;
	s6 =	sshll.u32 s7, $0xC;
	s8 =	ssub.s32 s4, s8  }
0x7: {  	s4 =	sadd.s32 $0x1E800, s5;
	p0 =	sgt.u32 s7, $0x1D;
	s6 =	sadd.s32 s6, s5  }
0x8: {  	v0 =	vmov s7;
	p1 =	sne.s32 @p0 s7, $0x1E;
	s7 =	simm.s32 $0x1;
	s5 =	sadd.s32 $0x800, s6  }
0x9: {  	v1 =	vimm.f32 $0.0e+00;
	v2 =	vimm.f32 $1.000000000e+00;
	s6 =	smax.u32 s8, $0x1;
	s8 =	simm.s32 $0x4000;
	p1 =	por p1, !p0  }
.LBB2_1:
0xa: {  	s10 =	simm.s32 $0x100;
	s9 =	simm.s32 $0x0  }
.LBB2_2:
0xb: {  	p2 =	sne.s32 s10, $0x1FF00;
	[tilespmem:s9+$0x4030] =	vst v1;
	s11 =	smov.u32 s10;
	s10 =	sadd.s32 $0x100, s10  }
.Ltmp0:
0xc: {  	[tilespmem:s9+$0x4020] =	vst v1;
	(pc) =	sbr.rel @p2 .LBB2_2-.Ltmp0, $3  }
0xd: {  	[tilespmem:s9+$0x4000] =	vst v1  }
0xe: {  	[tilespmem:s9+$0x4010] =	vst v1;
	_ =	sdelay $0x1  }
0xf: {  	s9 =	sshra.s32 s11, $0x2  }
0x10: {  	[tilespmem:s9+$0x4030] =	vst v1  }
0x11: {  	[tilespmem:s9+$0x4020] =	vst v1  }
0x12: {  	[tilespmem:s9+$0x4000] =	vst v1  }
0x13: {  	[tilespmem:s9+$0x4010] =	vst v1;
	s9 =	simm.s32 $0x0  }
0x14: {  	[tilespmem:s9], [sflag:$0x1] =	stream.linear.gather [hbm4b:s2+s9], $0x4000, $0x38;
	[tilespmem:$0xC000] =	vst v63  }
0x15: {  	_ =	swait.ge [sflag:s7], $0x4000  }
0x16: {  	[sflag:s7] =	ssyncset.done $0x0  }
0x17: {  	[sflag:s7] =	ssyncadd.s32 $0xFFFFC000  }
.LBB2_4:
0x18: {  	s10 =	sshra.s32 s9, $0x2  }
0x19: {  	v3 =	vld [tilespmem:s10+$0x0];
	_ =	sdelay $0x4  }
0x1a: {  	v4 =	vshra.s32 v3, $0xF  }
0x1b: {  	vm0 =	veq.s32 v4, v0  }
0x1c: {  	v3 =	vand.u32 $0x7FFF, v3;
	_ =	sdelay $0x4  }
0x1d: {  	[tilespmem:v3+s8+$0x0] =	vst.idx.add.f32.msk vm0, v2  }
0x1e: {  	v3 =	vld [tilespmem:s10+$0x10];
	_ =	sdelay $0x4  }
0x1f: {  	v61 =	vshra.s32 v3, $0xF  }
0x20: {  	vm13 =	veq.s32 v61, v0  }
0x21: {  	v3 =	vand.u32 $0x7FFF, v3;
	_ =	sdelay $0x4  }
0x22: {  	[tilespmem:v3+s8+$0x0] =	vst.idx.add.f32.msk vm13, v2  }
0x23: {  	v3 =	vld [tilespmem:s10+$0x20];
	_ =	sdelay $0x4  }
0x24: {  	v62 =	vshra.s32 v3, $0xF  }
0x25: {  	vm14 =	veq.s32 v62, v0  }
0x26: {  	v3 =	vand.u32 $0x7FFF, v3;
	_ =	sdelay $0x4  }
0x27: {  	[tilespmem:v3+s8+$0x0] =	vst.idx.add.f32.msk vm14, v2  }
0x28: {  	v3 =	vld [tilespmem:s10+$0x30];
	_ =	sdelay $0x4  }
0x29: {  	v63 =	vshra.s32 v3, $0xF  }
0x2a: {  	vm15 =	veq.s32 v63, v0  }
0x2b: {  	p2 =	sne.s32 s9, $0xFF00;
	v3 =	vand.u32 $0x7FFF, v3  }
.Ltmp1:
0x2c: {  	_ = 	snop;
	(pc) =	sbr.rel @p2 .LBB2_4-.Ltmp1, $2  }
0x2d: {  	_ =	sdelay $0x2  }
0x2e: {  	s9 =	sadd.s32 $0x100, s9;
	[tilespmem:v3+s8+$0x0] =	vst.idx.add.f32.msk vm15, v2  }
0x2f: {  	s9 =	simm.s32 @!p1 $0x0;
	s10 =	simm.s32 @!p1 $0x4000  }
0x30: {  	[hbm4b:s4+s9] =	stream.linear.scatter @!p1 [tilespmem:s10], [sflag:$0x1], $0x4240, $0x38;
	[tilespmem:$0xC000] =	vst v63  }
0x31: {  	s9 =	simm.s32 @!p1 $0x1  }
0x32: {  	_ =	swait.ge @!p1 [sflag:s9], $0x4240  }
0x33: {  	s3 =	sadd.s32 $0x1, s3;
	s10 =	simm.s32 @!p0 $0x4000;
	[sflag:s9] =	ssyncset.done @!p1 $0x0  }
0x34: {  	p2 =	sne.s32 s3, s6;
	[sflag:s9] =	ssyncadd.s32 @!p1 $0xFFFFBDC0;
	s9 =	simm.s32 @!p0 $0x0  }
0x35: {  	[hbm4b:s5+s9] =	stream.linear.scatter @!p0 [tilespmem:s10], [sflag:$0x1], $0x8000, $0x38;
	[tilespmem:$0xC000] =	vst v63  }
.Ltmp2:
0x36: {  	_ = 	snop;
	(pc) =	sbr.rel @p2 .LBB2_1-.Ltmp2, $4  }
0x37: {  	s9 =	simm.s32 @!p0 $0x1  }
0x38: {  	_ =	swait.ge @!p0 [sflag:s9], $0x8000  }
0x39: {  	[sflag:s9] =	ssyncset.done @!p0 $0x0  }
0x3a: {  	[sflag:s9] =	ssyncadd.s32 @!p0 $0xFFFF8000  }
0x3b: {  	_ =	sfence.sel $0x180000  }
0x3c: {  	[bflag:$0x0] =	sbarrier.arrive $0xFFFF  }
0x3d: {  	p0 =	sne.s32 s1, $0x0;
	_ =	strace $0x90000047  }
0x3e: {  	s0 =	sadd.s32 @!p0 $0x100000, s0;
	[bflag:$0x2] =	sbarrier.arrive $0xFFFF  }
0x3f: {  	[sflag:s0] =	ssyncadd.tile.s32 @!p0 $0x1;
	_ =	shalt  }
.Lfunc_end2:
_tile_overlayer_lowered:
.L_overlay_start_2:
0x40: {  	(tag) =	ssettag $0x2  }
0x41: {  	s0 =	rddreg [dreg:$0x0];
	s2 =	stileid.u32  }
0x42: {  	s1 =	rddreg [dreg:$0x1];
	p0 =	sne.s32 s2, $0x0  }
0x43: {  	s3 =	rddreg [dreg:$0x2];
	[bflag:$0x3] =	sbarrier.arrive $0xFFFF;
	s2 =	simm.s32 @!p0 $0x1C01  }
0x44: {  	[timem:s3], [sflag:s2] =	dma.local @!p0 [hbm:s0], s1  }
0x45: {  	s0 =	simm.s32 @!p0 $0x1  }
0x46: {  	_ =	swait.ge @!p0 [sflag:s0], s1  }
0x47: {  	s1 =	ssub.s32 @!p0 $0x0, s1;
	[sflag:s0] =	ssyncset.done @!p0 $0x0  }
0x48: {  	[sflag:s0] =	ssyncadd.s32 @!p0 s1  }
0x49: {  	[bflag:$0x3] =	sbarrier.arrive $0xFFFF  }
0x4a: {  	_ =	shalt  }

</sc_bundles>
